<compile_context>
chip_gen: v7x
topology: tpu7x:2x2x1
jax: 0.10.2.dev20260603
libtpu: 0.0.44.dev20260713+nightly
codegen_flags: <defaults>
</compile_context>

<pallas_src>
import functools

import jax
import jax.numpy as jnp
import numpy as np
from jax import lax
from jax.experimental import pallas as pl
from jax.experimental.pallas import tpu as pltpu
from jax.experimental.pallas import tpu_sc as plsc

N_PTS_ = 128
MIN_DEPTH_ = 2.0
MAX_DEPTH_ = 6.0
STEP_ = (MAX_DEPTH_ - MIN_DEPTH_) / N_PTS_
BM = 8192

_NC = 2
_NS = 16
_NW = _NC * _NS
_TR = 512


def _tc_body(odt_ref, s_ref, pts_ref):
    odt = odt_ref[...]
    s = s_ref[...]
    flat = jax.lax.dot_general(
        odt, s, (((0,), (0,)), ((), ())),
        preferred_element_type=jnp.float32,
        precision=jax.lax.Precision.DEFAULT)
    for c in range(3):
        pts_ref[c, :, :] = flat[:, c * N_PTS_:(c + 1) * N_PTS_]


def _sc_lens_body(out_hbm, tile_v, sem):
    wid = lax.axis_index("s") * _NC + lax.axis_index("c")
    rows_per_w = out_hbm.shape[0] // _NW
    base = wid * rows_per_w

    lane = lax.iota(jnp.int32, 16).astype(jnp.float32)
    zvs = [MIN_DEPTH_ + (lane + 16.0 * j) * STEP_ for j in range(8)]

    def fill_row(r, carry):
        for j in range(8):
            tile_v[r, pl.ds(16 * j, 16)] = zvs[j]
        return carry

    lax.fori_loop(0, _TR, fill_row, 0)

    n_dma = rows_per_w // _TR
    copies = [
        pltpu.async_copy(
            tile_v, out_hbm.at[pl.ds(base + t * _TR, _TR)], sem)
        for t in range(n_dma)
    ]
    for c in copies:
        c.wait()


@functools.partial(jax.jit, static_argnums=())
def kernel(origins, directions):
    m = origins.shape[0]
    z = np.arange(MIN_DEPTH_, MAX_DEPTH_, STEP_, dtype=np.float32)
    s = np.zeros((6, 3 * N_PTS_), dtype=np.float32)
    for c in range(3):
        s[c, c * N_PTS_:(c + 1) * N_PTS_] = 1.0
        s[3 + c, c * N_PTS_:(c + 1) * N_PTS_] = z
    s = jnp.asarray(s)

    odt = jnp.concatenate([origins.T, directions.T], axis=0)

    grid = (m // BM,)
    pts_t = pl.pallas_call(
        _tc_body,
        grid=grid,
        in_specs=[
            pl.BlockSpec((6, BM), lambda i: (0, i)),
            pl.BlockSpec((6, 3 * N_PTS_), lambda i: (0, 0)),
        ],
        out_specs=pl.BlockSpec((3, BM, N_PTS_), lambda i: (0, i, 0)),
        out_shape=jax.ShapeDtypeStruct((3, m, N_PTS_), jnp.float32),
        compiler_params=pltpu.CompilerParams(
            dimension_semantics=("parallel",)),
    )(odt, s)

    lens_fn = functools.partial(
        pl.kernel,
        mesh=plsc.VectorSubcoreMesh(core_axis_name="c", subcore_axis_name="s"),
        out_type=jax.ShapeDtypeStruct((m, N_PTS_), jnp.float32),
        scratch_types=[
            pltpu.VMEM((_TR, N_PTS_), jnp.float32),
            pltpu.SemaphoreType.DMA,
        ],
    )(_sc_lens_body)
    lens = lens_fn()

    return (jnp.transpose(pts_t, (1, 2, 0)), lens.reshape(m, N_PTS_, 1))

# --- scband reference (transcript-rebuilt; emitter-appended) ---
"""Pipeline reference for scband-hierarchical-stratified-sampler-2113123909854 (READ-ONLY COPY).

The authoritative reference and input builder live on the scoring server;
editing this copy changes nothing except your own understanding.
"""

import jax, jax.numpy as jnp
import numpy as np

N_PTS = 128
MIN_DEPTH = 2.0
MAX_DEPTH = 6.0
N_RAYS = 65536


def setup_inputs(seed: int = 0) -> dict:
    key = jax.random.key(seed)
    k1, k2 = jax.random.split(key)
    origins = jax.random.normal(k1, (N_RAYS, 3), dtype=jnp.float32)
    directions = jax.random.normal(k2, (N_RAYS, 3), dtype=jnp.float32)
    return {"origins": origins, "directions": directions}


def reference(origins, directions):
    # coarse (fine=False) path of HierarchicalStratifiedSampler.forward
    step = (MAX_DEPTH - MIN_DEPTH) / N_PTS
    z_range = jnp.arange(MIN_DEPTH, MAX_DEPTH, step, dtype=jnp.float32)
    # sample_points = origins.unsqueeze(1) + einsum('mi,n->mni', directions, z_range)
    sample_points = origins[:, None, :] + jnp.einsum('mi,n->mni', directions, z_range)
    # sample_lengths = tile(z_range, (M, 1)).unsqueeze(2)
    sample_lengths = jnp.tile(z_range, (directions.shape[0], 1))[..., None]
    return (sample_points, sample_lengths)

if __name__ == "__main__":
    import jax
    _d = setup_inputs()
    print(jax.jit(kernel)(*tuple(_d.values())))

</pallas_src>

<mosaic_0001>
#map = affine_map<(d0, d1) -> (0, 0)>
module attributes {stable_mosaic.version = 14 : i64} {
  func.func @_sc_lens_body(%arg0: i32, %arg1: i32, %arg2: memref<65536x128xf32, #tpu.memory_space<hbm>>, %arg3: memref<512x128xf32, #tpu.memory_space<vmem>>, %arg4: memref<!tpu.dma_semaphore, #tpu.memory_space<semaphore_mem>>) attributes {dimension_semantics = [#tpu.dimension_semantics<core_parallel>, #tpu.dimension_semantics<subcore_parallel>], iteration_bounds = array<i64: 2, 16>, scalar_prefetch = 0 : i64, scratch_operands = 2 : i64, tpu.core_type = #tpu.core_type<sc_vector_subcore>, window_params = [{transform_indices = #map}]} {
    %mul3A = arith.constant 2 : i32
    %mul3A_0 = arith.muli %arg1, %mul3A : i32
    %add3A = arith.addi %mul3A_0, %arg0 : i32
    %mul3A_1 = arith.constant 2048 : i32
    %mul3A_2 = arith.muli %add3A, %mul3A_1 : i32
    %iota3A = tpu.iota {dimensions = array<i32: 0>} : vector<16xi32>
    %convert_element_type3A = arith.sitofp %iota3A : vector<16xi32> to vector<16xf32>
    %add3A_3 = arith.constant 0.000000e+00 : f32
    %add3A_4 = vector.broadcast %add3A_3 : f32 to vector<16xf32>
    %add3A_5 = arith.addf %convert_element_type3A, %add3A_4 : vector<16xf32>
    %mul3A_6 = arith.constant 3.125000e-02 : f32
    %mul3A_7 = vector.broadcast %mul3A_6 : f32 to vector<16xf32>
    %mul3A_8 = arith.mulf %add3A_5, %mul3A_7 : vector<16xf32>
    %add3A_9 = arith.constant 2.000000e+00 : f32
    %add3A_10 = vector.broadcast %add3A_9 : f32 to vector<16xf32>
    %add3A_11 = arith.addf %add3A_10, %mul3A_8 : vector<16xf32>
    %add3A_12 = arith.constant 1.600000e+01 : f32
    %add3A_13 = vector.broadcast %add3A_12 : f32 to vector<16xf32>
    %add3A_14 = arith.addf %convert_element_type3A, %add3A_13 : vector<16xf32>
    %mul3A_15 = arith.constant 3.125000e-02 : f32
    %mul3A_16 = vector.broadcast %mul3A_15 : f32 to vector<16xf32>
    %mul3A_17 = arith.mulf %add3A_14, %mul3A_16 : vector<16xf32>
    %add3A_18 = arith.constant 2.000000e+00 : f32
    %add3A_19 = vector.broadcast %add3A_18 : f32 to vector<16xf32>
    %add3A_20 = arith.addf %add3A_19, %mul3A_17 : vector<16xf32>
    %add3A_21 = arith.constant 3.200000e+01 : f32
    %add3A_22 = vector.broadcast %add3A_21 : f32 to vector<16xf32>
    %add3A_23 = arith.addf %convert_element_type3A, %add3A_22 : vector<16xf32>
    %mul3A_24 = arith.constant 3.125000e-02 : f32
    %mul3A_25 = vector.broadcast %mul3A_24 : f32 to vector<16xf32>
    %mul3A_26 = arith.mulf %add3A_23, %mul3A_25 : vector<16xf32>
    %add3A_27 = arith.constant 2.000000e+00 : f32
    %add3A_28 = vector.broadcast %add3A_27 : f32 to vector<16xf32>
    %add3A_29 = arith.addf %add3A_28, %mul3A_26 : vector<16xf32>
    %add3A_30 = arith.constant 4.800000e+01 : f32
    %add3A_31 = vector.broadcast %add3A_30 : f32 to vector<16xf32>
    %add3A_32 = arith.addf %convert_element_type3A, %add3A_31 : vector<16xf32>
    %mul3A_33 = arith.constant 3.125000e-02 : f32
    %mul3A_34 = vector.broadcast %mul3A_33 : f32 to vector<16xf32>
    %mul3A_35 = arith.mulf %add3A_32, %mul3A_34 : vector<16xf32>
    %add3A_36 = arith.constant 2.000000e+00 : f32
    %add3A_37 = vector.broadcast %add3A_36 : f32 to vector<16xf32>
    %add3A_38 = arith.addf %add3A_37, %mul3A_35 : vector<16xf32>
    %add3A_39 = arith.constant 6.400000e+01 : f32
    %add3A_40 = vector.broadcast %add3A_39 : f32 to vector<16xf32>
    %add3A_41 = arith.addf %convert_element_type3A, %add3A_40 : vector<16xf32>
    %mul3A_42 = arith.constant 3.125000e-02 : f32
    %mul3A_43 = vector.broadcast %mul3A_42 : f32 to vector<16xf32>
    %mul3A_44 = arith.mulf %add3A_41, %mul3A_43 : vector<16xf32>
    %add3A_45 = arith.constant 2.000000e+00 : f32
    %add3A_46 = vector.broadcast %add3A_45 : f32 to vector<16xf32>
    %add3A_47 = arith.addf %add3A_46, %mul3A_44 : vector<16xf32>
    %add3A_48 = arith.constant 8.000000e+01 : f32
    %add3A_49 = vector.broadcast %add3A_48 : f32 to vector<16xf32>
    %add3A_50 = arith.addf %convert_element_type3A, %add3A_49 : vector<16xf32>
    %mul3A_51 = arith.constant 3.125000e-02 : f32
    %mul3A_52 = vector.broadcast %mul3A_51 : f32 to vector<16xf32>
    %mul3A_53 = arith.mulf %add3A_50, %mul3A_52 : vector<16xf32>
    %add3A_54 = arith.constant 2.000000e+00 : f32
    %add3A_55 = vector.broadcast %add3A_54 : f32 to vector<16xf32>
    %add3A_56 = arith.addf %add3A_55, %mul3A_53 : vector<16xf32>
    %add3A_57 = arith.constant 9.600000e+01 : f32
    %add3A_58 = vector.broadcast %add3A_57 : f32 to vector<16xf32>
    %add3A_59 = arith.addf %convert_element_type3A, %add3A_58 : vector<16xf32>
    %mul3A_60 = arith.constant 3.125000e-02 : f32
    %mul3A_61 = vector.broadcast %mul3A_60 : f32 to vector<16xf32>
    %mul3A_62 = arith.mulf %add3A_59, %mul3A_61 : vector<16xf32>
    %add3A_63 = arith.constant 2.000000e+00 : f32
    %add3A_64 = vector.broadcast %add3A_63 : f32 to vector<16xf32>
    %add3A_65 = arith.addf %add3A_64, %mul3A_62 : vector<16xf32>
    %add3A_66 = arith.constant 1.120000e+02 : f32
    %add3A_67 = vector.broadcast %add3A_66 : f32 to vector<16xf32>
    %add3A_68 = arith.addf %convert_element_type3A, %add3A_67 : vector<16xf32>
    %mul3A_69 = arith.constant 3.125000e-02 : f32
    %mul3A_70 = vector.broadcast %mul3A_69 : f32 to vector<16xf32>
    %mul3A_71 = arith.mulf %add3A_68, %mul3A_70 : vector<16xf32>
    %add3A_72 = arith.constant 2.000000e+00 : f32
    %add3A_73 = vector.broadcast %add3A_72 : f32 to vector<16xf32>
    %add3A_74 = arith.addf %add3A_73, %mul3A_71 : vector<16xf32>
    %scan3A = arith.constant 0 : i32
    %scan3A_75 = arith.constant 0 : i32
    %scan3A_76 = arith.constant 512 : i32
    %scan3A_77 = arith.addi %scan3A_75, %scan3A_76 : i32
    %scan3A_78 = arith.constant 1 : i32
    scf.for %scan3A_118 = %scan3A_75 to %scan3A_77 step %scan3A_78  : i32 {
      %swap3A = arith.index_cast %scan3A_118 : i32 to index
      %swap3A_119 = arith.constant 0 : index
      %swap3A_120 = tpu.vector_load %arg3[%swap3A, %swap3A_119] {strides = array<i32>} : memref<512x128xf32, #tpu.memory_space<vmem>>, vector<1x16xf32>,
      %swap3A_121 = vector.shape_cast %swap3A_120 : vector<1x16xf32> to vector<16xf32>
      %swap3A_122 = vector.shape_cast %add3A_11 : vector<16xf32> to vector<1x16xf32>
      tpu.vector_store %arg3[%swap3A, %swap3A_119], %swap3A_122 {strides = array<i32>} : memref<512x128xf32, #tpu.memory_space<vmem>>, vector<1x16xf32>,
      %swap3A_123 = arith.index_cast %scan3A_118 : i32 to index
      %swap3A_124 = arith.constant 16 : index
      %swap3A_125 = tpu.vector_load %arg3[%swap3A_123, %swap3A_124] {strides = array<i32>} : memref<512x128xf32, #tpu.memory_space<vmem>>, vector<1x16xf32>,
      %swap3A_126 = vector.shape_cast %swap3A_125 : vector<1x16xf32> to vector<16xf32>
      %swap3A_127 = vector.shape_cast %add3A_20 : vector<16xf32> to vector<1x16xf32>
      tpu.vector_store %arg3[%swap3A_123, %swap3A_124], %swap3A_127 {strides = array<i32>} : memref<512x128xf32, #tpu.memory_space<vmem>>, vector<1x16xf32>,
      %swap3A_128 = arith.index_cast %scan3A_118 : i32 to index
      %swap3A_129 = arith.constant 32 : index
      %swap3A_130 = tpu.vector_load %arg3[%swap3A_128, %swap3A_129] {strides = array<i32>} : memref<512x128xf32, #tpu.memory_space<vmem>>, vector<1x16xf32>,
      %swap3A_131 = vector.shape_cast %swap3A_130 : vector<1x16xf32> to vector<16xf32>
      %swap3A_132 = vector.shape_cast %add3A_29 : vector<16xf32> to vector<1x16xf32>
      tpu.vector_store %arg3[%swap3A_128, %swap3A_129], %swap3A_132 {strides = array<i32>} : memref<512x128xf32, #tpu.memory_space<vmem>>, vector<1x16xf32>,
      %swap3A_133 = arith.index_cast %scan3A_118 : i32 to index
      %swap3A_134 = arith.constant 48 : index
      %swap3A_135 = tpu.vector_load %arg3[%swap3A_133, %swap3A_134] {strides = array<i32>} : memref<512x128xf32, #tpu.memory_space<vmem>>, vector<1x16xf32>,
      %swap3A_136 = vector.shape_cast %swap3A_135 : vector<1x16xf32> to vector<16xf32>
      %swap3A_137 = vector.shape_cast %add3A_38 : vector<16xf32> to vector<1x16xf32>
      tpu.vector_store %arg3[%swap3A_133, %swap3A_134], %swap3A_137 {strides = array<i32>} : memref<512x128xf32, #tpu.memory_space<vmem>>, vector<1x16xf32>,
      %swap3A_138 = arith.index_cast %scan3A_118 : i32 to index
      %swap3A_139 = arith.constant 64 : index
      %swap3A_140 = tpu.vector_load %arg3[%swap3A_138, %swap3A_139] {strides = array<i32>} : memref<512x128xf32, #tpu.memory_space<vmem>>, vector<1x16xf32>,
      %swap3A_141 = vector.shape_cast %swap3A_140 : vector<1x16xf32> to vector<16xf32>
      %swap3A_142 = vector.shape_cast %add3A_47 : vector<16xf32> to vector<1x16xf32>
      tpu.vector_store %arg3[%swap3A_138, %swap3A_139], %swap3A_142 {strides = array<i32>} : memref<512x128xf32, #tpu.memory_space<vmem>>, vector<1x16xf32>,
      %swap3A_143 = arith.index_cast %scan3A_118 : i32 to index
      %swap3A_144 = arith.constant 80 : index
      %swap3A_145 = tpu.vector_load %arg3[%swap3A_143, %swap3A_144] {strides = array<i32>} : memref<512x128xf32, #tpu.memory_space<vmem>>, vector<1x16xf32>,
      %swap3A_146 = vector.shape_cast %swap3A_145 : vector<1x16xf32> to vector<16xf32>
      %swap3A_147 = vector.shape_cast %add3A_56 : vector<16xf32> to vector<1x16xf32>
      tpu.vector_store %arg3[%swap3A_143, %swap3A_144], %swap3A_147 {strides = array<i32>} : memref<512x128xf32, #tpu.memory_space<vmem>>, vector<1x16xf32>,
      %swap3A_148 = arith.index_cast %scan3A_118 : i32 to index
      %swap3A_149 = arith.constant 96 : index
      %swap3A_150 = tpu.vector_load %arg3[%swap3A_148, %swap3A_149] {strides = array<i32>} : memref<512x128xf32, #tpu.memory_space<vmem>>, vector<1x16xf32>,
      %swap3A_151 = vector.shape_cast %swap3A_150 : vector<1x16xf32> to vector<16xf32>
      %swap3A_152 = vector.shape_cast %add3A_65 : vector<16xf32> to vector<1x16xf32>
      tpu.vector_store %arg3[%swap3A_148, %swap3A_149], %swap3A_152 {strides = array<i32>} : memref<512x128xf32, #tpu.memory_space<vmem>>, vector<1x16xf32>,
      %swap3A_153 = arith.index_cast %scan3A_118 : i32 to index
      %swap3A_154 = arith.constant 112 : index
      %swap3A_155 = tpu.vector_load %arg3[%swap3A_153, %swap3A_154] {strides = array<i32>} : memref<512x128xf32, #tpu.memory_space<vmem>>, vector<1x16xf32>,
      %swap3A_156 = vector.shape_cast %swap3A_155 : vector<1x16xf32> to vector<16xf32>
      %swap3A_157 = vector.shape_cast %add3A_74 : vector<16xf32> to vector<1x16xf32>
      tpu.vector_store %arg3[%swap3A_153, %swap3A_154], %swap3A_157 {strides = array<i32>} : memref<512x128xf32, #tpu.memory_space<vmem>>, vector<1x16xf32>,
    }
    %scan3A_79 = arith.constant 512 : i32
    %add3A_80 = arith.constant 0 : i32
    %add3A_81 = arith.addi %mul3A_2, %add3A_80 : i32
    %dma_start3A = arith.constant 0 : i32
    %dma_start3A_82 = tpu.memref_slice %arg2[%add3A_81, %dma_start3A] : memref<65536x128xf32, #tpu.memory_space<hbm>> -> memref<512x128xf32, #tpu.memory_space<hbm>>
    %dma_start3A_83 = arith.constant 0 : i32
    %dma_start3A_84 = tpu.memref_slice %arg2[%add3A_81, %dma_start3A_83] : memref<65536x128xf32, #tpu.memory_space<hbm>> -> memref<512x128xf32, #tpu.memory_space<hbm>>
    tpu.enqueue_dma source(%arg3 : memref<512x128xf32, #tpu.memory_space<vmem>>) target(%dma_start3A_84 : memref<512x128xf32, #tpu.memory_space<hbm>>) target_semaphore(%arg4 : memref<!tpu.dma_semaphore, #tpu.memory_space<semaphore_mem>>)
    %add3A_85 = arith.constant 512 : i32
    %add3A_86 = arith.addi %mul3A_2, %add3A_85 : i32
    %dma_start3A_87 = arith.constant 0 : i32
    %dma_start3A_88 = tpu.memref_slice %arg2[%add3A_86, %dma_start3A_87] : memref<65536x128xf32, #tpu.memory_space<hbm>> -> memref<512x128xf32, #tpu.memory_space<hbm>>
    %dma_start3A_89 = arith.constant 0 : i32
    %dma_start3A_90 = tpu.memref_slice %arg2[%add3A_86, %dma_start3A_89] : memref<65536x128xf32, #tpu.memory_space<hbm>> -> memref<512x128xf32, #tpu.memory_space<hbm>>
    tpu.enqueue_dma source(%arg3 : memref<512x128xf32, #tpu.memory_space<vmem>>) target(%dma_start3A_90 : memref<512x128xf32, #tpu.memory_space<hbm>>) target_semaphore(%arg4 : memref<!tpu.dma_semaphore, #tpu.memory_space<semaphore_mem>>)
    %add3A_91 = arith.constant 1024 : i32
    %add3A_92 = arith.addi %mul3A_2, %add3A_91 : i32
    %dma_start3A_93 = arith.constant 0 : i32
    %dma_start3A_94 = tpu.memref_slice %arg2[%add3A_92, %dma_start3A_93] : memref<65536x128xf32, #tpu.memory_space<hbm>> -> memref<512x128xf32, #tpu.memory_space<hbm>>
    %dma_start3A_95 = arith.constant 0 : i32
    %dma_start3A_96 = tpu.memref_slice %arg2[%add3A_92, %dma_start3A_95] : memref<65536x128xf32, #tpu.memory_space<hbm>> -> memref<512x128xf32, #tpu.memory_space<hbm>>
    tpu.enqueue_dma source(%arg3 : memref<512x128xf32, #tpu.memory_space<vmem>>) target(%dma_start3A_96 : memref<512x128xf32, #tpu.memory_space<hbm>>) target_semaphore(%arg4 : memref<!tpu.dma_semaphore, #tpu.memory_space<semaphore_mem>>)
    %add3A_97 = arith.constant 1536 : i32
    %add3A_98 = arith.addi %mul3A_2, %add3A_97 : i32
    %dma_start3A_99 = arith.constant 0 : i32
    %dma_start3A_100 = tpu.memref_slice %arg2[%add3A_98, %dma_start3A_99] : memref<65536x128xf32, #tpu.memory_space<hbm>> -> memref<512x128xf32, #tpu.memory_space<hbm>>
    %dma_start3A_101 = arith.constant 0 : i32
    %dma_start3A_102 = tpu.memref_slice %arg2[%add3A_98, %dma_start3A_101] : memref<65536x128xf32, #tpu.memory_space<hbm>> -> memref<512x128xf32, #tpu.memory_space<hbm>>
    tpu.enqueue_dma source(%arg3 : memref<512x128xf32, #tpu.memory_space<vmem>>) target(%dma_start3A_102 : memref<512x128xf32, #tpu.memory_space<hbm>>) target_semaphore(%arg4 : memref<!tpu.dma_semaphore, #tpu.memory_space<semaphore_mem>>)
    %dma_wait3A = arith.constant 0 : i32
    %dma_wait3A_103 = tpu.memref_slice %arg2[%add3A_81, %dma_wait3A] : memref<65536x128xf32, #tpu.memory_space<hbm>> -> memref<512x128xf32, #tpu.memory_space<hbm>>
    %dma_wait3A_104 = arith.constant 0 : i32
    %dma_wait3A_105 = tpu.memref_slice %arg2[%add3A_81, %dma_wait3A_104] : memref<65536x128xf32, #tpu.memory_space<hbm>> -> memref<512x128xf32, #tpu.memory_space<hbm>>
    tpu.wait_dma2 semaphore(%arg4 : memref<!tpu.dma_semaphore, #tpu.memory_space<semaphore_mem>>) src(%arg3 : memref<512x128xf32, #tpu.memory_space<vmem>>) dst(%dma_wait3A_105 : memref<512x128xf32, #tpu.memory_space<hbm>>)
    %dma_wait3A_106 = arith.constant 0 : i32
    %dma_wait3A_107 = tpu.memref_slice %arg2[%add3A_86, %dma_wait3A_106] : memref<65536x128xf32, #tpu.memory_space<hbm>> -> memref<512x128xf32, #tpu.memory_space<hbm>>
    %dma_wait3A_108 = arith.constant 0 : i32
    %dma_wait3A_109 = tpu.memref_slice %arg2[%add3A_86, %dma_wait3A_108] : memref<65536x128xf32, #tpu.memory_space<hbm>> -> memref<512x128xf32, #tpu.memory_space<hbm>>
    tpu.wait_dma2 semaphore(%arg4 : memref<!tpu.dma_semaphore, #tpu.memory_space<semaphore_mem>>) src(%arg3 : memref<512x128xf32, #tpu.memory_space<vmem>>) dst(%dma_wait3A_109 : memref<512x128xf32, #tpu.memory_space<hbm>>)
    %dma_wait3A_110 = arith.constant 0 : i32
    %dma_wait3A_111 = tpu.memref_slice %arg2[%add3A_92, %dma_wait3A_110] : memref<65536x128xf32, #tpu.memory_space<hbm>> -> memref<512x128xf32, #tpu.memory_space<hbm>>
    %dma_wait3A_112 = arith.constant 0 : i32
    %dma_wait3A_113 = tpu.memref_slice %arg2[%add3A_92, %dma_wait3A_112] : memref<65536x128xf32, #tpu.memory_space<hbm>> -> memref<512x128xf32, #tpu.memory_space<hbm>>
    tpu.wait_dma2 semaphore(%arg4 : memref<!tpu.dma_semaphore, #tpu.memory_space<semaphore_mem>>) src(%arg3 : memref<512x128xf32, #tpu.memory_space<vmem>>) dst(%dma_wait3A_113 : memref<512x128xf32, #tpu.memory_space<hbm>>)
    %dma_wait3A_114 = arith.constant 0 : i32
    %dma_wait3A_115 = tpu.memref_slice %arg2[%add3A_98, %dma_wait3A_114] : memref<65536x128xf32, #tpu.memory_space<hbm>> -> memref<512x128xf32, #tpu.memory_space<hbm>>
    %dma_wait3A_116 = arith.constant 0 : i32
    %dma_wait3A_117 = tpu.memref_slice %arg2[%add3A_98, %dma_wait3A_116] : memref<65536x128xf32, #tpu.memory_space<hbm>> -> memref<512x128xf32, #tpu.memory_space<hbm>>
    tpu.wait_dma2 semaphore(%arg4 : memref<!tpu.dma_semaphore, #tpu.memory_space<semaphore_mem>>) src(%arg3 : memref<512x128xf32, #tpu.memory_space<vmem>>) dst(%dma_wait3A_117 : memref<512x128xf32, #tpu.memory_space<hbm>>)
    return
  }
}

module attributes {stable_mosaic.version = 14 : i64} {
  func.func @_tc_body(%arg0: i32, %arg1: memref<6x8192xf32, #tpu.memory_space<vmem>>, %arg2: memref<6x384xf32, #tpu.memory_space<vmem>>, %arg3: memref<3x8192x128xf32, #tpu.memory_space<vmem>>) attributes {dimension_semantics = [#tpu.dimension_semantics<parallel>], iteration_bounds = array<i64: 8>, scalar_prefetch = 0 : i64, scratch_operands = 0 : i64, tpu.core_type = #tpu.core_type<tc>, window_params = [{transform_indices = @transform_0, window_bounds = array<i64: 6, 8192>}, {pipeline_mode = #tpu.pipeline_mode<synchronous>, transform_indices = @transform_1, window_bounds = array<i64: 6, 384>}, {transform_indices = @transform_2, window_bounds = array<i64: 3, 8192, 128>}]} {
    %get3A = arith.constant 0 : index
    %get3A_0 = arith.constant 0 : index
    %get3A_1 = vector.load %arg1[%get3A, %get3A_0] : memref<6x8192xf32, #tpu.memory_space<vmem>>, vector<6x8192xf32>
    %get3A_2 = arith.constant 0 : index
    %get3A_3 = arith.constant 0 : index
    %get3A_4 = vector.load %arg2[%get3A_2, %get3A_3] : memref<6x384xf32, #tpu.memory_space<vmem>>, vector<6x384xf32>
    %dot_general3A = arith.constant dense<0.000000e+00> : vector<8192x384xf32>
    %dot_general3A_5 = tpu.matmul %get3A_1, %get3A_4, %dot_general3A {dimension_numbers = #tpu.dot_dimension_numbers<[0], [0], [1], [1], [0, 1, 1, 1], [], []>, transpose_lhs_hint = false} : vector<6x8192xf32>, vector<6x384xf32>, vector<8192x384xf32> -> vector<8192x384xf32>
    %slice3A = vector.extract_strided_slice %dot_general3A_5 {offsets = [0, 0], sizes = [8192, 128], strides = [1, 1]} : vector<8192x384xf32> to vector<8192x128xf32>
    %swap3A = arith.constant 0 : index
    %swap3A_6 = arith.constant 0 : index
    %swap3A_7 = arith.constant 0 : index
    %swap3A_8 = vector.load %arg3[%swap3A, %swap3A_6, %swap3A_7] : memref<3x8192x128xf32, #tpu.memory_space<vmem>>, vector<1x8192x128xf32>
    %swap3A_9 = vector.shape_cast %swap3A_8 : vector<1x8192x128xf32> to vector<8192x128xf32>
    %swap3A_10 = vector.shape_cast %slice3A : vector<8192x128xf32> to vector<1x8192x128xf32>
    tpu.vector_store %arg3[%swap3A, %swap3A_6, %swap3A_7], %swap3A_10 {strides = array<i32>} : memref<3x8192x128xf32, #tpu.memory_space<vmem>>, vector<1x8192x128xf32>,
    %slice3A_11 = vector.extract_strided_slice %dot_general3A_5 {offsets = [0, 128], sizes = [8192, 128], strides = [1, 1]} : vector<8192x384xf32> to vector<8192x128xf32>
    %swap3A_12 = arith.constant 1 : index
    %swap3A_13 = arith.constant 0 : index
    %swap3A_14 = arith.constant 0 : index
    %swap3A_15 = vector.load %arg3[%swap3A_12, %swap3A_13, %swap3A_14] : memref<3x8192x128xf32, #tpu.memory_space<vmem>>, vector<1x8192x128xf32>
    %swap3A_16 = vector.shape_cast %swap3A_15 : vector<1x8192x128xf32> to vector<8192x128xf32>
    %swap3A_17 = vector.shape_cast %slice3A_11 : vector<8192x128xf32> to vector<1x8192x128xf32>
    tpu.vector_store %arg3[%swap3A_12, %swap3A_13, %swap3A_14], %swap3A_17 {strides = array<i32>} : memref<3x8192x128xf32, #tpu.memory_space<vmem>>, vector<1x8192x128xf32>,
    %slice3A_18 = vector.extract_strided_slice %dot_general3A_5 {offsets = [0, 256], sizes = [8192, 128], strides = [1, 1]} : vector<8192x384xf32> to vector<8192x128xf32>
    %swap3A_19 = arith.constant 2 : index
    %swap3A_20 = arith.constant 0 : index
    %swap3A_21 = arith.constant 0 : index
    %swap3A_22 = vector.load %arg3[%swap3A_19, %swap3A_20, %swap3A_21] : memref<3x8192x128xf32, #tpu.memory_space<vmem>>, vector<1x8192x128xf32>
    %swap3A_23 = vector.shape_cast %swap3A_22 : vector<1x8192x128xf32> to vector<8192x128xf32>
    %swap3A_24 = vector.shape_cast %slice3A_18 : vector<8192x128xf32> to vector<1x8192x128xf32>
    tpu.vector_store %arg3[%swap3A_19, %swap3A_20, %swap3A_21], %swap3A_24 {strides = array<i32>} : memref<3x8192x128xf32, #tpu.memory_space<vmem>>, vector<1x8192x128xf32>,
    return
  }
  func.func @transform_0(%arg0: i32) -> (i32, i32) {
    %c0_i32 = arith.constant 0 : i32
    %c0_i32_0 = arith.constant 0 : i32
    return %c0_i32, %arg0 : i32, i32
  }
  func.func @transform_1(%arg0: i32) -> (i32, i32) {
    %c0_i32 = arith.constant 0 : i32
    %c0_i32_0 = arith.constant 0 : i32
    %c0_i32_1 = arith.constant 0 : i32
    return %c0_i32, %c0_i32_0 : i32, i32
  }
  func.func @transform_2(%arg0: i32) -> (i32, i32, i32) {
    %c0_i32 = arith.constant 0 : i32
    %c0_i32_0 = arith.constant 0 : i32
    %c0_i32_1 = arith.constant 0 : i32
    return %c0_i32, %arg0, %c0_i32_0 : i32, i32, i32
  }
}

</mosaic_0001>

<sc_bundles>
// kernel: kernel.4.cloned.1.call-start
scs
__scs_entry_jumppad:
0x0: {  	(pc) =	sbr.rel $0x88, $3  }
0x1: {  	(tag) =	ssettag $0x0;
	lr =	simm.s32 $0x1  }
0x2: {  	[smem:$0x3F9F] =	sst lr;
	_ =	strace $0xD0000000  }
0x3: {  	_ = 	snop  }
0x4: {  	_ = 	snop  }
0x5: {  	_ = 	snop  }
0x6: {  	_ = 	snop  }
0x7: {  	_ = 	snop  }
__scs_overlays_trampoline_lowered:
0x8: {  	[smem:$0x3FAE] =	sst s0  }
0x9: {  	[smem:$0x3FAF] =	sst s1  }
0xa: {  	[smem:$0x3FB0] =	sst s2  }
0xb: {  	[smem:$0x3FB1] =	sst s3  }
0xc: {  	[smem:$0x3FB2] =	sst s4  }
0xd: {  	[smem:$0x3FB3] =	sst s5  }
0xe: {  	[smem:$0x3FB4] =	sst s6  }
0xf: {  	[smem:$0x3FB5] =	sst s7  }
0x10: {  	[smem:$0x3FB6] =	sst s8  }
0x11: {  	[smem:$0x3FB7] =	sst s9;
	s0 =	simm.s32 @!p0 $0x0  }
0x12: {  	s1 =	sld [smem:$0x3F9D];
	s0 =	simm.s32 @p0 $0x1  }
0x13: {  	[smem:$0x3FB8] =	sst s0;
	s0 =	simm.s32 @!p1 $0x0  }
0x14: {  	s2 =	sld [smem:$0x3F9C];
	s0 =	simm.s32 @p1 $0x1  }
0x15: {  	[smem:$0x3FB9] =	sst s0;
	s0 =	simm.s32 @!p2 $0x0  }
0x16: {  	s3 =	sld [smem:$0x3FDB];
	s0 =	simm.s32 @p2 $0x1  }
0x17: {  	s4 =	simm.s32 $0x1BF5;
	[smem:$0x3FBB] =	sst s0  }
0x18: {  	s0 =	sld [smem:$0x3F9E];
	_ =	swait.ge [sflag:s4], $0x0  }
0x19: {  	s7 =	sld [smem:$0x3F9F]  }
0x1a: {  	s8 =	sadd.s32 $0xFFFFE003, lr  }
0x1b: {  	s9 =	sadd.s32 $0xFFFFFEF7, lr;
	s5 =	simm.s32 $0xFFFFFFFF;
	p2 =	slt.u32 s8, $0xFFFFF086  }
0x1c: {  	p1 =	slt.u32 s9, $0xF7A;
	s5 =	simm.s32 @!p2 $0x0  }
0x1d: {  	s5 =	simm.s32 @p1 $0x1;
	p0 =	seq.s32 s7, s2  }
0x1e: {  	s7 =	smul.u32 @!p0 $0xF7A, s2;
	p2 =	seq.s32 @!p0 s5, $0x0  }
0x1f: {  	s9 =	smul.u32 $0xF7A, s1;
	s8 =	simm.s32 @!p0 $0x1BF5;
	p2 =	por !p2, p0  }
0x20: {  	[sflag:s8] =	ssyncset.s32 @!p0 $0xFFFFF086;
	s6 =	sadd.s32 @!p0 s3, s7;
	s7 =	simm.s32 @!p0 $0x108  }
0x21: {  	s3 =	sadd.s32 s3, s9;
	s6 =	sadd.s32 @!p0 $0x88, s6;
	s7 =	simm.s32 @p2 $0x1082  }
0x22: {  	[simem:s7], [sflag:s8] =	dma.local @!p0 [hbm:s6], $0xF7A  }
0x23: {  	s9 =	sor.u32 $0xD0000000, s2;
	s6 =	simm.s32 $0x108;
	_ =	swait.ge @!p0 [sflag:s8], $0x0  }
0x24: {  	s3 =	sadd.s32 $0x88, s3;
	s6 =	simm.s32 @!p1 $0x1082;
	[sflag:s4] =	ssyncset.s32 $0xFFFFF086  }
0x25: {  	[simem:s6], [sflag:s4] =	dma.local [hbm:s3], $0xF7A  }
0x26: {  	[smem:$0x3F9F] =	sst s1;
	(tag) =	ssettag s2;
	_ =	strace s9  }
0x27: {  	s1 =	sld [smem:$0x3FAF]  }
0x28: {  	s2 =	sld [smem:$0x3FB0]  }
0x29: {  	s4 =	sld [smem:$0x3FB2]  }
0x2a: {  	p0 =	seq.s32 s5, $0x0;
	s5 =	sld [smem:$0x3FB3]  }
0x2b: {  	s6 =	sld [smem:$0x3FB4]  }
0x2c: {  	s7 =	sld [smem:$0x3FB5]  }
0x2d: {  	s3 =	simm.s32 $0x108;
	s8 =	sld [smem:$0x3FB6]  }
0x2e: {  	s3 =	simm.s32 @!p0 $0x1082;
	s9 =	sld [smem:$0x3FB7]  }
0x2f: {  	lr =	sadd.s32 s0, s3;
	s0 =	sld [smem:$0x3FAE]  }
0x30: {  	s3 =	sld [smem:$0x3FB1]  }
0x31: {  	[smem:$0x3FBA] =	sst s10  }
0x32: {  	s10 =	sld [smem:$0x3FB8];
	_ =	sdelay $0x3  }
0x33: {  	p0 =	seq.s32 s10, $0x1;
	s10 =	sld [smem:$0x3FBA];
	_ =	sdelay $0x3  }
0x34: {  	[smem:$0x3FBA] =	sst s10  }
0x35: {  	s10 =	sld [smem:$0x3FB9];
	_ =	sdelay $0x3  }
0x36: {  	p1 =	seq.s32 s10, $0x1;
	s10 =	sld [smem:$0x3FBA];
	_ =	sdelay $0x3  }
0x37: {  	[smem:$0x3FBA] =	sst s10  }
0x38: {  	s10 =	sld [smem:$0x3FBB]  }
0x39: {  	_ = 	snop;
	(pc) =	sbr.ind lr, $3  }
0x3a: {  	_ = 	snop  }
0x3b: {  	_ = 	snop  }
0x3c: {  	p2 =	seq.s32 s10, $0x1;
	s10 =	sld [smem:$0x3FBA]  }
0x3d: {  	_ =	shalt  }
0x3e: {  	_ =	shalt  }
0x3f: {  	_ =	shalt  }
0x40: {  	_ =	shalt  }
0x41: {  	_ =	shalt  }
0x42: {  	_ =	shalt  }
0x43: {  	_ =	shalt  }
0x44: {  	_ =	shalt  }
0x45: {  	_ =	shalt  }
0x46: {  	_ =	shalt  }
0x47: {  	_ =	shalt  }
0x48: {  	_ =	shalt  }
0x49: {  	_ =	shalt  }
0x4a: {  	_ =	shalt  }
0x4b: {  	_ =	shalt  }
0x4c: {  	_ =	shalt  }
0x4d: {  	_ =	shalt  }
0x4e: {  	_ =	shalt  }
0x4f: {  	_ =	shalt  }
0x50: {  	_ =	shalt  }
0x51: {  	_ =	shalt  }
0x52: {  	_ =	shalt  }
0x53: {  	_ =	shalt  }
0x54: {  	_ =	shalt  }
0x55: {  	_ =	shalt  }
0x56: {  	_ =	shalt  }
0x57: {  	_ =	shalt  }
0x58: {  	_ =	shalt  }
0x59: {  	_ =	shalt  }
0x5a: {  	_ =	shalt  }
0x5b: {  	_ =	shalt  }
0x5c: {  	_ =	shalt  }
0x5d: {  	_ =	shalt  }
0x5e: {  	_ =	shalt  }
0x5f: {  	_ =	shalt  }
0x60: {  	_ =	shalt  }
0x61: {  	_ =	shalt  }
0x62: {  	_ =	shalt  }
0x63: {  	_ =	shalt  }
0x64: {  	_ =	shalt  }
0x65: {  	_ =	shalt  }
0x66: {  	_ =	shalt  }
0x67: {  	_ =	shalt  }
0x68: {  	_ =	shalt  }
0x69: {  	_ =	shalt  }
0x6a: {  	_ =	shalt  }
0x6b: {  	_ =	shalt  }
0x6c: {  	_ =	shalt  }
0x6d: {  	_ =	shalt  }
0x6e: {  	_ =	shalt  }
0x6f: {  	_ =	shalt  }
0x70: {  	_ =	shalt  }
0x71: {  	_ =	shalt  }
0x72: {  	_ =	shalt  }
0x73: {  	_ =	shalt  }
0x74: {  	_ =	shalt  }
0x75: {  	_ =	shalt  }
0x76: {  	_ =	shalt  }
0x77: {  	_ =	shalt  }
0x78: {  	_ =	shalt  }
0x79: {  	_ =	shalt  }
0x7a: {  	_ =	shalt  }
0x7b: {  	_ =	shalt  }
0x7c: {  	_ =	shalt  }
0x7d: {  	_ =	shalt  }
0x7e: {  	_ =	shalt  }
0x7f: {  	_ =	shalt  }
0x80: {  	_ =	shalt  }
0x81: {  	_ =	shalt  }
0x82: {  	_ =	shalt  }
0x83: {  	_ =	shalt  }
0x84: {  	_ =	shalt  }
0x85: {  	_ =	shalt  }
0x86: {  	_ =	shalt  }
0x87: {  	_ =	shalt  }
.Lfunc_end0:
.L_simem_size_0:
called_computation_lowered:
.L_overlay_start_0:
0x88: {  	s2 =	sld [smem:$0x3FD9]  }
0x89: {  	s3 =	sld [smem:$0x3FFE];
	_ =	sdelay $0x1  }
0x8a: {  	s1 =	srdreg.scid  }
0x8b: {  	s0 =	sand.u32 $0x1, s1  }
0x8c: {  	s15 =	sshll.u32 s0, $0xA;
	s2 =	sadd.s32 s3, s2  }
0x8d: {  	s2 =	sadd.s32 s2, s15  }
0x8e: {  	[smem:$0x3FC6] =	sst s2  }
0x8f: {  	_ = 	snop  }
0x90: {  	s2 =	sld [smem:$0x3FD0];
	_ =	sdelay $0x2  }
0x91: {  	s16 =	simm.s32 $0xA;
	s4 =	simm.s32 $0x10  }
0x92: {  	[smem:s4], [sflag:s16] =	dma.local [hbm:s2], $0x1  }
0x93: {  	_ =	swait.eq [sflag:s16], $0x1  }
0x94: {  	[sflag:s16] =	ssyncset.done $0x0  }
0x95: {  	[sflag:s16] =	ssyncadd.s32 $0xFFFFFFFF  }
0x96: {  	s17 =	sld [smem:$0x11];
	(tm) =	ssettm $0x1  }
0x97: {  	s18 =	sld [smem:$0x3FFB];
	_ =	sdelay $0x3  }
0x98: {  	_ =	strace s18  }
0x99: {  	s3 =	sld [smem:$0x3FFC];
	_ =	sdelay $0x3  }
0x9a: {  	_ =	strace s3  }
0x9b: {  	s3 =	sld [smem:$0x3FFD];
	_ =	sdelay $0x3  }
0x9c: {  	_ =	strace s3  }
0x9d: {  	_ =	strace $0x8FFFFFFF  }
0x9e: {  	s19 =	sld [smem:$0x3FDB];
	_ =	sdelay $0x1  }
0x9f: {  	s20 =	simm.s32 $_scs_section_size  }
0xa0: {  	s5 =	simm.s32 $_size__tile_overlayer_lowered;
	s6 =	simm.s32 $_tile_overlayer_lowered  }
0xa1: {  	s23 =	simm.s32 $0x1BFF;
	s22 =	sshll.u32 s6, $0x1;
	s3 =	sadd.s32 s20, s19  }
0xa2: {  	s7 =	simm.s32 $0x0;
	s21 =	sshll.u32 s5, $0x1;
	s5 =	sadd.s32 s22, s3  }
0xa3: {  	[timem:s7], [sflag:s23] =	dma.local [hbm:s5], s21  }
0xa4: {  	_ =	swait.ge [sflag:s23], s21  }
0xa5: {  	s4 =	ssub.s32 $0x0, s21;
	[sflag:s23] =	ssyncset.done $0x0  }
0xa6: {  	[sflag:s23] =	ssyncadd.s32 s4;
	_ =	sdelay $0x1  }
0xa7: {  	s24 =	simm.s32 $0x1B8B  }
0xa8: {  	_ =	swait.ge [sflag:s24], $0x1  }
0xa9: {  	[sflag:s24] =	ssyncset.done $0x0  }
0xaa: {  	s25 =	simm.s32 $0x1B8E;
	[sflag:s24] =	ssyncadd.s32 $0xFFFFFFFF  }
0xab: {  	s26 =	simm.s32 $execute0_lowered;
	[smem:$0x3FD2] =	sst s25  }
0xac: {  	s4 =	sshll.u32 s26, $0x1;
	_ =	strace $0x80000046;
	[dreg:$0x1] =	wrdreg $0xFFFFFFFF  }
0xad: {  	s28 =	simm.s32 $_size_execute0_lowered;
	s3 =	sadd.s32 s3, s4;
	[dreg:$0x0] =	wrdreg $0x0  }
0xae: {  	s4 =	sshll.u32 s28, $0x1;
	[dreg:$0x2] =	wrdreg s3  }
0xaf: {  	[dreg:$0x3] =	wrdreg s4  }
0xb0: {  	[dreg:$0x4] =	wrdreg $0xC0  }
0xb1: {  	_ =	task [dreg:s7], $0x5FFFF  }
0xb2: {  	[dreg:$0x1] =	wrdreg $0xFFFFFFFF  }
0xb3: {  	[dreg:$0x0] =	wrdreg $0x60  }
0xb4: {  	[dreg:$0x2] =	wrdreg s17  }
0xb5: {  	[dreg:$0x3] =	wrdreg $0x9  }
0xb6: {  	_ =	task.clear_ibuf [dreg:s7], $0x4FFFF;
	_ =	strace $0x90000046  }
0xb7: {  	s29 =	simm.s32 $0x9;
	_ =	strace $0x80000048  }
0xb8: {  	_ =	swait.ge [sflag:s29], $0x1  }
0xb9: {  	[sflag:s29] =	ssyncadd.s32 $0xFFFFFFFF  }
0xba: {  	_ =	strace $0x90000048  }
0xbb: {  	_ =	sfence  }
0xbc: {  	s30 =	sld [smem:$0x0];
	_ =	sdelay $0x2  }
0xbd: {  	s31 =	sshll.u32 s1, $0xD;
	s1 =	sshrl.u32 s1, $0x2  }
0xbe: {  	s3 =	sand.u32 $0x4000, s31;
	s1 =	sadd.s32 s1, s30  }
0xbf: {  	s0 =	sor.u32 s3, s0;
	s1 =	sshll.u32 s1, $0x11  }
0xc0: {  	s0 =	sor.u32 s1, s0  }
0xc1: {  	s0 =	sadd.s32 $0x8F2B, s0  }
0xc2: {  	[sflag:s0] =	ssyncadd.remote.s32 $0x1  }
0xc3: {  	_ =	sfence.sel $0xFFFF  }
0xc4: {  	[dreg:$0x0] =	wrdreg $0xFFFFFFFF;
	(pc) =	sbr.abs _section_cstart, $3  }
0xc5: {  	[dreg:$0x1] =	wrdreg $0xFFFFFFFF  }
0xc6: {  	_ =	task.clear_ibuf [dreg:s7], $0x2FFFF;
	_ =	strace $0x9FFFFFFF  }
0xc7: {  	(tm) =	ssettm $0x7FFFFFFF  }
tec
execute0_lowered:
.L_overlay_start_1:
0x0: {  	(tag) =	ssettag $0x1  }
0x1: {  	v0 =	vimm.f32 $2.468750000e+00;
	vm8 =	vcmask $0x300  }
0x2: {  	v1 =	vimm.f32 $2.968750000e+00;
	vm9 =	vcmask $0x704;
	vm10 =	vcmask $0xB08  }
0x3: {  	vm11 =	vcmask $0xF0C;
	vm12 =	vcmask $0x1310;
	vm13 =	vcmask $0x1714  }
0x4: {  	vm14 =	vcmask $0x1B18;
	vm7 =	vcmask $0x1F1C;
	vm6 =	vcmask $0x2320  }
0x5: {  	vm5 =	vcmask $0x2724;
	vm4 =	vcmask $0x2B28;
	vm3 =	vcmask $0x2F2C  }
0x6: {  	vm2 =	vcmask $0x3330;
	vm1 =	vcmask $0x3734;
	vm0 =	vcmask $0x3B38  }
0x7: {  	v2 =	vimm.f32 $3.468750000e+00;
	v3 =	vimm.f32 $3.968750000e+00;
	v4 =	vimm.f32 $4.468750000e+00  }
0x8: {  	v5 =	vimm.f32 $4.968750000e+00;
	v6 =	vimm.f32 $5.468750000e+00;
	v7 =	vimm.f32 $5.968750000e+00  }
0x9: {  	v0 =	vsel vm8, $0x40000000, v0;
	v1 =	vsel vm8, $0x40200000, v1;
	v2 =	vsel vm8, $0x40400000, v2  }
0xa: {  	v3 =	vsel vm8, $0x40600000, v3;
	v4 =	vsel vm8, $0x40800000, v4;
	v5 =	vsel vm8, $0x40900000, v5  }
0xb: {  	v6 =	vsel vm8, $0x40A00000, v6;
	v7 =	vsel vm8, $0x40B00000, v7;
	v0 =	vsel vm9, $0x40020000, v0  }
0xc: {  	v1 =	vsel vm9, $0x40220000, v1;
	v2 =	vsel vm9, $0x40420000, v2;
	v3 =	vsel vm9, $0x40620000, v3  }
0xd: {  	v4 =	vsel vm9, $0x40810000, v4;
	v5 =	vsel vm9, $0x40910000, v5;
	v6 =	vsel vm9, $0x40A10000, v6  }
0xe: {  	v7 =	vsel vm9, $0x40B10000, v7;
	v0 =	vsel vm10, $0x40040000, v0;
	v1 =	vsel vm10, $0x40240000, v1  }
0xf: {  	v2 =	vsel vm10, $0x40440000, v2;
	v3 =	vsel vm10, $0x40640000, v3;
	v4 =	vsel vm10, $0x40820000, v4  }
0x10: {  	v5 =	vsel vm10, $0x40920000, v5;
	v6 =	vsel vm10, $0x40A20000, v6;
	v7 =	vsel vm10, $0x40B20000, v7  }
0x11: {  	v0 =	vsel vm11, $0x40060000, v0;
	v1 =	vsel vm11, $0x40260000, v1;
	v2 =	vsel vm11, $0x40460000, v2  }
0x12: {  	v3 =	vsel vm11, $0x40660000, v3;
	v4 =	vsel vm11, $0x40830000, v4;
	v5 =	vsel vm11, $0x40930000, v5  }
0x13: {  	v6 =	vsel vm11, $0x40A30000, v6;
	v7 =	vsel vm11, $0x40B30000, v7;
	v0 =	vsel vm12, $0x40080000, v0  }
0x14: {  	v1 =	vsel vm12, $0x40280000, v1;
	v2 =	vsel vm12, $0x40480000, v2;
	v3 =	vsel vm12, $0x40680000, v3  }
0x15: {  	v4 =	vsel vm12, $0x40840000, v4;
	v5 =	vsel vm12, $0x40940000, v5;
	v6 =	vsel vm12, $0x40A40000, v6  }
0x16: {  	v7 =	vsel vm12, $0x40B40000, v7;
	v0 =	vsel vm13, $0x400A0000, v0;
	v1 =	vsel vm13, $0x402A0000, v1  }
0x17: {  	v2 =	vsel vm13, $0x404A0000, v2;
	v3 =	vsel vm13, $0x406A0000, v3;
	v4 =	vsel vm13, $0x40850000, v4  }
0x18: {  	v5 =	vsel vm13, $0x40950000, v5;
	v6 =	vsel vm13, $0x40A50000, v6;
	v7 =	vsel vm13, $0x40B50000, v7  }
0x19: {  	v0 =	vsel vm14, $0x400C0000, v0;
	v1 =	vsel vm14, $0x402C0000, v1;
	v2 =	vsel vm14, $0x404C0000, v2  }
0x1a: {  	v3 =	vsel vm14, $0x406C0000, v3;
	v4 =	vsel vm14, $0x40860000, v4;
	v5 =	vsel vm14, $0x40960000, v5  }
0x1b: {  	v6 =	vsel vm14, $0x40A60000, v6;
	v7 =	vsel vm14, $0x40B60000, v7;
	v0 =	vsel vm7, $0x400E0000, v0  }
0x1c: {  	v1 =	vsel vm7, $0x402E0000, v1;
	v2 =	vsel vm7, $0x404E0000, v2;
	v3 =	vsel vm7, $0x406E0000, v3  }
0x1d: {  	v4 =	vsel vm7, $0x40870000, v4;
	v5 =	vsel vm7, $0x40970000, v5;
	v6 =	vsel vm7, $0x40A70000, v6  }
0x1e: {  	v7 =	vsel vm7, $0x40B70000, v7;
	v0 =	vsel vm6, $0x40100000, v0;
	v1 =	vsel vm6, $0x40300000, v1  }
0x1f: {  	v2 =	vsel vm6, $0x40500000, v2;
	v3 =	vsel vm6, $0x40700000, v3;
	v4 =	vsel vm6, $0x40880000, v4  }
0x20: {  	v5 =	vsel vm6, $0x40980000, v5;
	v6 =	vsel vm6, $0x40A80000, v6;
	v7 =	vsel vm6, $0x40B80000, v7  }
0x21: {  	v0 =	vsel vm5, $0x40120000, v0;
	v1 =	vsel vm5, $0x40320000, v1;
	v2 =	vsel vm5, $0x40520000, v2  }
0x22: {  	v3 =	vsel vm5, $0x40720000, v3;
	v4 =	vsel vm5, $0x40890000, v4;
	v5 =	vsel vm5, $0x40990000, v5  }
0x23: {  	v6 =	vsel vm5, $0x40A90000, v6;
	v7 =	vsel vm5, $0x40B90000, v7;
	v0 =	vsel vm4, $0x40140000, v0  }
0x24: {  	v1 =	vsel vm4, $0x40340000, v1;
	v2 =	vsel vm4, $0x40540000, v2;
	v3 =	vsel vm4, $0x40740000, v3  }
0x25: {  	v4 =	vsel vm4, $0x408A0000, v4;
	v5 =	vsel vm4, $0x409A0000, v5;
	v6 =	vsel vm4, $0x40AA0000, v6  }
0x26: {  	v7 =	vsel vm4, $0x40BA0000, v7;
	v0 =	vsel vm3, $0x40160000, v0;
	v1 =	vsel vm3, $0x40360000, v1  }
0x27: {  	v2 =	vsel vm3, $0x40560000, v2;
	v3 =	vsel vm3, $0x40760000, v3;
	v4 =	vsel vm3, $0x408B0000, v4  }
0x28: {  	v5 =	vsel vm3, $0x409B0000, v5;
	v6 =	vsel vm3, $0x40AB0000, v6;
	v7 =	vsel vm3, $0x40BB0000, v7  }
0x29: {  	s3 =	rddreg [dreg:$0x0];
	v0 =	vsel vm2, $0x40180000, v0;
	v1 =	vsel vm2, $0x40380000, v1;
	v2 =	vsel vm2, $0x40580000, v2  }
0x2a: {  	s0 =	rddreg [dreg:$0x1];
	s4 =	srdreg.scid;
	v3 =	vsel vm2, $0x40780000, v3;
	v4 =	vsel vm2, $0x408C0000, v4;
	v5 =	vsel vm2, $0x409C0000, v5  }
0x2b: {  	s2 =	simm.s32 $0x0;
	s1 =	stileid.u32;
	s4 =	sand.u32 $0x1, s4;
	v6 =	vsel vm2, $0x40AC0000, v6;
	v7 =	vsel vm2, $0x40BC0000, v7;
	v0 =	vsel vm1, $0x401A0000, v0  }
0x2c: {  	s6 =	sshll.u32 s1, $0x10;
	s5 =	ssub.s32 $0x2, s4;
	s4 =	sshll.u32 s4, $0xF;
	v1 =	vsel vm1, $0x403A0000, v1;
	v2 =	vsel vm1, $0x405A0000, v2;
	v3 =	vsel vm1, $0x407A0000, v3  }
0x2d: {  	s8 =	simm.s32 $0x1;
	s9 =	simm.s32 $0x0;
	s4 =	sor.u32 s4, s6;
	v4 =	vsel vm1, $0x408D0000, v4;
	v5 =	vsel vm1, $0x409D0000, v5;
	v6 =	vsel vm1, $0x40AD0000, v6  }
0x2e: {  	[smem:$0x7FF] =	sst s2;
	s7 =	sshrl.u32 s5, $0x1;
	s3 =	sadd.s32 s3, s4;
	v7 =	vsel vm1, $0x40BD0000, v7;
	v0 =	vsel vm0, $0x401C0000, v0;
	v1 =	vsel vm0, $0x403C0000, v1  }
0x2f: {  	_ =	strace $0x80000047;
	s7 =	ssub.s32 s5, s7;
	s4 =	sadd.s32 $0x2000, s3;
	v2 =	vsel vm0, $0x405C0000, v2;
	v3 =	vsel vm0, $0x407C0000, v3;
	v4 =	vsel vm0, $0x408E0000, v4  }
0x30: {  	s5 =	sadd.s32 $0x4000, s3;
	s6 =	sadd.s32 $0x6000, s3;
	s7 =	smax.u32 s7, $0x1;
	v5 =	vsel vm0, $0x409E0000, v5;
	v6 =	vsel vm0, $0x40AE0000, v6;
	v7 =	vsel vm0, $0x40BE0000, v7  }
.LBB2_1:
0x31: {  	s10 =	simm.s32 $0x0;
	s11 =	simm.s32 $0x200  }
.LBB2_2:
0x32: {  	p0 =	sne.s32 s11, $0x3FE00;
	[tilespmem:s10+$0x70] =	vst v7  }
0x33: {  	[tilespmem:s10+$0x0] =	vst v0  }
0x34: {  	[tilespmem:s10+$0x10] =	vst v1  }
.Ltmp0:
0x35: {  	[tilespmem:s10+$0x20] =	vst v2;
	(pc) =	sbr.rel @p0 .LBB2_2-.Ltmp0, $4  }
0x36: {  	[tilespmem:s10+$0x30] =	vst v3  }
0x37: {  	[tilespmem:s10+$0x40] =	vst v4  }
0x38: {  	[tilespmem:s10+$0x50] =	vst v5  }
0x39: {  	[tilespmem:s10+$0x60] =	vst v6;
	s10 =	sshra.s32 s11, $0x2;
	s11 =	sadd.s32 $0x200, s11  }
0x3a: {  	[tilespmem:s10+$0x70] =	vst v7  }
0x3b: {  	[tilespmem:s10+$0x0] =	vst v0  }
0x3c: {  	[tilespmem:s10+$0x10] =	vst v1  }
0x3d: {  	[tilespmem:s10+$0x20] =	vst v2  }
0x3e: {  	[tilespmem:s10+$0x30] =	vst v3  }
0x3f: {  	[tilespmem:s10+$0x40] =	vst v4  }
0x40: {  	[tilespmem:s10+$0x50] =	vst v5  }
0x41: {  	[tilespmem:s10+$0x60] =	vst v6  }
0x42: {  	[hbm4b:s3+s2] =	stream.linear.scatter [tilespmem:s2], [sflag:$0x1], $0x10000, $0x38;
	[tilespmem:$0x10000] =	vst v63  }
0x43: {  	_ = 	snop  }
0x44: {  	[hbm4b:s4+s2] =	stream.linear.scatter [tilespmem:s2], [sflag:$0x1], $0x10000, $0x38;
	[tilespmem:$0x10000] =	vst v63  }
0x45: {  	_ = 	snop  }
0x46: {  	[hbm4b:s5+s2] =	stream.linear.scatter [tilespmem:s2], [sflag:$0x1], $0x10000, $0x38;
	[tilespmem:$0x10000] =	vst v63  }
0x47: {  	_ = 	snop  }
0x48: {  	[hbm4b:s6+s2] =	stream.linear.scatter [tilespmem:s2], [sflag:$0x1], $0x10000, $0x38;
	[tilespmem:$0x10000] =	vst v63  }
0x49: {  	_ =	swait.ge [sflag:s8], $0x10000  }
0x4a: {  	[sflag:s8] =	ssyncset.done $0x0  }
0x4b: {  	[sflag:s8] =	ssyncadd.s32 $0xFFFF0000  }
0x4c: {  	_ =	swait.ge [sflag:s8], $0x10000  }
0x4d: {  	[sflag:s8] =	ssyncset.done $0x0  }
0x4e: {  	s9 =	sadd.s32 $0x1, s9;
	[sflag:s8] =	ssyncadd.s32 $0xFFFF0000  }
0x4f: {  	p0 =	sne.s32 s9, s7;
	_ =	swait.ge [sflag:s8], $0x10000  }
.Ltmp1:
0x50: {  	[sflag:s8] =	ssyncset.done $0x0;
	(pc) =	sbr.rel @p0 .LBB2_1-.Ltmp1, $4  }
0x51: {  	[sflag:s8] =	ssyncadd.s32 $0xFFFF0000  }
0x52: {  	_ =	swait.ge [sflag:s8], $0x10000  }
0x53: {  	[sflag:s8] =	ssyncset.done $0x0  }
0x54: {  	[sflag:s8] =	ssyncadd.s32 $0xFFFF0000  }
0x55: {  	_ =	sfence.sel $0x180000  }
0x56: {  	[bflag:$0x0] =	sbarrier.arrive $0xFFFF  }
0x57: {  	p0 =	sne.s32 s1, $0x0;
	_ =	strace $0x90000047  }
0x58: {  	s0 =	sadd.s32 @!p0 $0x100000, s0;
	[bflag:$0x2] =	sbarrier.arrive $0xFFFF  }
0x59: {  	[sflag:s0] =	ssyncadd.tile.s32 @!p0 $0x1;
	_ =	shalt  }
.Lfunc_end2:
_tile_overlayer_lowered:
.L_overlay_start_2:
0x5a: {  	(tag) =	ssettag $0x2  }
0x5b: {  	s0 =	rddreg [dreg:$0x0];
	s2 =	stileid.u32  }
0x5c: {  	s1 =	rddreg [dreg:$0x1];
	p0 =	sne.s32 s2, $0x0  }
0x5d: {  	s3 =	rddreg [dreg:$0x2];
	[bflag:$0x3] =	sbarrier.arrive $0xFFFF;
	s2 =	simm.s32 @!p0 $0x1C02  }
0x5e: {  	[timem:s3], [sflag:s2] =	dma.local @!p0 [hbm:s0], s1  }
0x5f: {  	s0 =	simm.s32 @!p0 $0x2  }
0x60: {  	_ =	swait.ge @!p0 [sflag:s0], s1  }
0x61: {  	s1 =	ssub.s32 @!p0 $0x0, s1;
	[sflag:s0] =	ssyncset.done @!p0 $0x0  }
0x62: {  	[sflag:s0] =	ssyncadd.s32 @!p0 s1  }
0x63: {  	[bflag:$0x3] =	sbarrier.arrive $0xFFFF  }
0x64: {  	_ =	shalt  }

</sc_bundles>
